<compile_context>
chip_gen: v7x
topology: tpu7x:2x2x1
jax: 0.10.2.dev20260603
libtpu: 0.0.44.dev20260713+nightly
codegen_flags: <defaults>
</compile_context>

<pallas_src>
import functools
import math

import jax
import jax.numpy as jnp
from jax import lax
from jax.experimental import pallas as pl
from jax.experimental.pallas import tpu as pltpu
from jax.experimental.pallas import tpu_sc as plsc

RATIO = 0.5
NC = 2
NS = 16
B = 512


def _round_up(x, m):
    return (x + m - 1) // m * m



@functools.partial(jax.jit, static_argnames=("n_dst", "F", "stage_src"))
def _msg_pass(h, r, c, w, zeros, *, n_dst, F, stage_src=False):
    E_pad = r.shape[0]
    Bw = 8192 // F
    E_half = E_pad // NC
    E_ps = E_half // NS
    nwin = E_ps // Bw
    mesh = plsc.VectorSubcoreMesh(core_axis_name="c", subcore_axis_name="s")

    def body(h_hbm, r_hbm, c_hbm, w_hbm, z_hbm, out_hbm,
             ri_v, ci_v, w_v, rows_v, acc_sh, *rest):
        if stage_src:
            h_sh, sem = rest
        else:
            (sem,) = rest
        ci = lax.axis_index("c")
        si = lax.axis_index("s")

        @pl.when(si == 0)
        def _():
            pltpu.sync_copy(z_hbm, acc_sh)
            if stage_src:
                pltpu.sync_copy(h_hbm, h_sh)

        plsc.subcore_barrier()

        base = ci * E_half + si * E_ps

        def win(wi, carry):
            off = base + wi * Bw
            pltpu.sync_copy(r_hbm.at[pl.ds(off, Bw)], ri_v)
            pltpu.sync_copy(c_hbm.at[pl.ds(off, Bw)], ci_v)
            pltpu.sync_copy(w_hbm.at[pl.ds(off, Bw)], w_v)
            descs = []
            src_ref = h_sh if stage_src else h_hbm
            for s in range(Bw // 16):
                idx16 = ri_v[pl.ds(s * 16, 16)]
                descs.append(pltpu.async_copy(
                    src_ref.at[idx16], rows_v.at[pl.ds(s * 16, 16)], sem))
            for d in descs:
                d.wait()

            def mul(g, carry2):
                w16 = w_v[pl.ds(g * 16, 16)]
                for j in range(16):
                    ws = w16[j]
                    e = g * 16 + j
                    for fb in range(F // 16):
                        val = rows_v[e, pl.ds(fb * 16, 16)]
                        rows_v[e, pl.ds(fb * 16, 16)] = val * ws
                return carry2

            lax.fori_loop(0, Bw // 16, mul, 0)
            pltpu.sync_copy(rows_v, acc_sh.at[ci_v], add=True)
            return carry

        lax.fori_loop(0, nwin, win, 0)
        plsc.subcore_barrier()

        @pl.when(si == 0)
        def _():
            pltpu.sync_copy(acc_sh, out_hbm.at[ci])

    fn = pl.kernel(
        body,
        out_type=jax.ShapeDtypeStruct((NC, n_dst, F), jnp.float32),
        mesh=mesh,
        compiler_params=pltpu.CompilerParams(use_tc_tiling_on_sc=False),
        scratch_types=[
            pltpu.VMEM((Bw,), jnp.int32),
            pltpu.VMEM((Bw,), jnp.int32),
            pltpu.VMEM((Bw,), jnp.float32),
            pltpu.VMEM((Bw, F), jnp.float32),
            pltpu.VMEM_SHARED((n_dst, F), jnp.float32),
        ] + ([pltpu.VMEM_SHARED(h.shape, jnp.float32)] if stage_src else [])
          + [pltpu.SemaphoreType.DMA],
    )
    return fn(h, r, c, w, zeros)


@functools.partial(jax.jit, static_argnames=("n_dst",))
def _deg_pass(c, w, zeros, *, n_dst):
    E_pad = c.shape[0]
    E_half = E_pad // NC
    E_ps = E_half // NS
    nwin = E_ps // B
    mesh = plsc.VectorSubcoreMesh(core_axis_name="c", subcore_axis_name="s")

    def body(c_hbm, w_hbm, z_hbm, out_hbm, ci_v, w_v, rows_v, acc_sh):
        ci = lax.axis_index("c")
        si = lax.axis_index("s")

        @pl.when(si == 0)
        def _():
            pltpu.sync_copy(z_hbm, acc_sh)

        plsc.subcore_barrier()

        base = ci * E_half + si * E_ps

        def win(wi, carry):
            off = base + wi * B
            pltpu.sync_copy(c_hbm.at[pl.ds(off, B)], ci_v)
            pltpu.sync_copy(w_hbm.at[pl.ds(off, B)], w_v)

            def fill(g, carry2):
                w16 = w_v[pl.ds(g * 16, 16)]
                for j in range(16):
                    rows_v[g * 16 + j, :] = jnp.broadcast_to(w16[j], (16,))
                return carry2

            lax.fori_loop(0, B // 16, fill, 0)
            pltpu.sync_copy(rows_v, acc_sh.at[ci_v], add=True)
            return carry

        lax.fori_loop(0, nwin, win, 0)
        plsc.subcore_barrier()

        @pl.when(si == 0)
        def _():
            pltpu.sync_copy(acc_sh, out_hbm.at[ci])

    fn = pl.kernel(
        body,
        out_type=jax.ShapeDtypeStruct((NC, n_dst, 16), jnp.float32),
        mesh=mesh,
        compiler_params=pltpu.CompilerParams(use_tc_tiling_on_sc=False),
        scratch_types=[
            pltpu.VMEM((B,), jnp.int32),
            pltpu.VMEM((B,), jnp.float32),
            pltpu.VMEM((B, 16), jnp.float32),
            pltpu.VMEM_SHARED((n_dst, 16), jnp.float32),
        ],
    )
    return fn(c, w, zeros)



def _gcn_conv_xla(x, ei, ew, mask, W, b):
    n = x.shape[0]
    h = x @ W
    w = ew * mask
    loop = jnp.arange(n)
    r = jnp.concatenate([ei[0], loop])
    c = jnp.concatenate([ei[1], loop])
    w2 = jnp.concatenate([w, jnp.ones((n,), x.dtype)])
    deg = jnp.zeros((n,), x.dtype).at[c].add(w2)
    safe = jnp.where(deg > 0, deg, 1.0)
    dis = jnp.where(deg > 0, 1.0 / jnp.sqrt(safe), 0.0)
    norm = dis[r] * w2 * dis[c]
    out = jnp.zeros((n, h.shape[1]), x.dtype).at[c].add(norm[:, None] * h[r])
    return out + b


def _graph_conv_xla(x, ei, mask, Wrel, brel, Wroot):
    n = x.shape[0]
    msg = x[ei[0]] * mask[:, None]
    aggr = jnp.zeros((n, x.shape[1]), x.dtype).at[ei[1]].add(msg)
    return aggr @ Wrel + brel + x @ Wroot


def _sag_pool_xla(x, ei, ew, mask, Wrel, brel, Wroot, ratio):
    n = x.shape[0]
    score = _graph_conv_xla(x, ei, mask, Wrel, brel, Wroot).reshape(-1)
    k = int(math.ceil(ratio * n))
    _, perm = jax.lax.top_k(score, k)
    xk = x[perm] * jnp.tanh(score[perm])[:, None]
    mapping = jnp.full((n,), -1, jnp.int32).at[perm].set(jnp.arange(k, dtype=jnp.int32))
    nr = mapping[ei[0]]
    nc = mapping[ei[1]]
    valid = (nr >= 0) & (nc >= 0)
    nmask = mask * valid.astype(x.dtype)
    nr = jnp.where(valid, nr, 0)
    nc = jnp.where(valid, nc, 0)
    return xk, jnp.stack([nr, nc]), ew, nmask


def _pad_edges(r, c, w, n, E_pad):
    E = r.shape[0]
    pad = E_pad - E
    pad_idx = (jnp.arange(pad, dtype=jnp.int32) % n)
    rp = jnp.concatenate([r, pad_idx])
    cp = jnp.concatenate([c, pad_idx])
    wp = jnp.concatenate([w, jnp.zeros((pad,), jnp.float32)])
    return rp, cp, wp


def _gcn_conv_sc(x, rp, cp, wp, dis, inv_deg, W, b, zeros, n):
    h = x @ W
    F = h.shape[1]
    ht = dis[:, None] * h
    parts = _msg_pass(ht, rp, cp, wp, zeros[:, :F], n_dst=n, F=F, stage_src=True)
    out = dis[:, None] * (parts[0] + parts[1]) + h * inv_deg[:, None] + b
    return jax.nn.relu(out)


def kernel(x, edge_index, edge_attr, W1, b1, W2, b2, p1_Wrel, p1_brel, p1_Wroot, W3, b3, p2_Wrel, p2_brel, p2_Wroot, W4, b4, W5, b5):
    x = x.reshape(-1, 3)
    ei = edge_index.reshape(2, -1)
    ew = edge_attr.reshape(-1)
    E = ei.shape[1]
    mask = jnp.ones((E,), x.dtype)

    x1 = jax.nn.relu(_gcn_conv_xla(x, ei, ew, mask, W1, b1))
    x2 = jax.nn.relu(_gcn_conv_xla(x1, ei, ew, mask, W2, b2))
    x3, eiB, ew, maskB = _sag_pool_xla(x2, ei, ew, mask, p1_Wrel, p1_brel, p1_Wroot, RATIO)
    x4 = jax.nn.relu(_gcn_conv_xla(x3, eiB, ew, maskB, W3, b3))
    x5, eiC, ew, maskC = _sag_pool_xla(x4, eiB, ew, maskB, p2_Wrel, p2_brel, p2_Wroot, RATIO)

    n2 = x5.shape[0]
    E_pad = _round_up(E, NC * NS * B)
    w2e = ew * maskC
    r2, c2, w2p = _pad_edges(eiC[0], eiC[1], w2e, n2, E_pad)

    z2 = jnp.zeros((n2, 64), jnp.float32)
    z2d = jnp.zeros((n2, 16), jnp.float32)

    dparts = _deg_pass(c2, w2p, z2d, n_dst=n2)
    deg = 1.0 + dparts[0, :, 0] + dparts[1, :, 0]
    dis = lax.rsqrt(deg)
    inv_deg = 1.0 / deg

    x6 = _gcn_conv_sc(x5, r2, c2, w2p, dis, inv_deg, W4, b4, z2, n2)
    x7 = _gcn_conv_sc(x6, r2, c2, w2p, dis, inv_deg, W5, b5, z2, n2)
    return x7

# --- scband reference (transcript-rebuilt; emitter-appended) ---
"""Pipeline reference for scband-gcn-2061584302577 (READ-ONLY COPY).

The authoritative reference and input builder live on the scoring server;
editing this copy changes nothing except your own understanding.
"""

import jax, jax.numpy as jnp
import numpy as np
import math

N = 50000
E = 800000
RATIO = 0.5

def _glorot(key, shape):
    scale = math.sqrt(2.0 / (shape[0] + shape[1]))
    return jax.random.normal(key, shape, dtype=jnp.float32) * scale

def setup_inputs(seed: int = 0):
    key = jax.random.key(seed)
    ks = jax.random.split(key, 16)
    inp = {}
    inp["x"] = jax.random.normal(ks[0], (N, 3), dtype=jnp.float32)
    inp["edge_index"] = jax.random.randint(ks[1], (2, E), 0, N, dtype=jnp.int32)
    inp["edge_attr"] = jax.random.uniform(ks[2], (E,), dtype=jnp.float32)
    inp["W1"] = _glorot(ks[3], (3, 16)); inp["b1"] = jnp.zeros((16,), jnp.float32)
    inp["W2"] = _glorot(ks[4], (16, 32)); inp["b2"] = jnp.zeros((32,), jnp.float32)
    inp["p1_Wrel"] = _glorot(ks[5], (32, 1)); inp["p1_brel"] = jnp.zeros((1,), jnp.float32)
    inp["p1_Wroot"] = _glorot(ks[6], (32, 1))
    inp["W3"] = _glorot(ks[7], (32, 64)); inp["b3"] = jnp.zeros((64,), jnp.float32)
    inp["p2_Wrel"] = _glorot(ks[8], (64, 1)); inp["p2_brel"] = jnp.zeros((1,), jnp.float32)
    inp["p2_Wroot"] = _glorot(ks[9], (64, 1))
    inp["W4"] = _glorot(ks[10], (64, 32)); inp["b4"] = jnp.zeros((32,), jnp.float32)
    inp["W5"] = _glorot(ks[11], (32, 32)); inp["b5"] = jnp.zeros((32,), jnp.float32)
    return inp

def _gcn_conv(x, ei, ew, mask, W, b):
    # GCNConv(add_self_loops=True, normalize=True) with edge weights
    n = x.shape[0]
    h = x @ W
    w = ew * mask
    loop = jnp.arange(n)
    r = jnp.concatenate([ei[0], loop])
    c = jnp.concatenate([ei[1], loop])
    w2 = jnp.concatenate([w, jnp.ones((n,), x.dtype)])
    deg = jnp.zeros((n,), x.dtype).at[c].add(w2)
    safe = jnp.where(deg > 0, deg, 1.0)
    dis = jnp.where(deg > 0, 1.0 / jnp.sqrt(safe), 0.0)
    norm = dis[r] * w2 * dis[c]
    out = jnp.zeros((n, h.shape[1]), x.dtype).at[c].add(norm[:, None] * h[r])
    return out + b

def _graph_conv(x, ei, mask, Wrel, brel, Wroot):
    # PyG GraphConv (SAGPooling score GNN); no edge weight passed in SAGPooling
    n = x.shape[0]
    msg = x[ei[0]] * mask[:, None]
    aggr = jnp.zeros((n, x.shape[1]), x.dtype).at[ei[1]].add(msg)
    return aggr @ Wrel + brel + x @ Wroot

def _sag_pool(x, ei, ew, mask, Wrel, brel, Wroot, ratio):
    n = x.shape[0]
    score = _graph_conv(x, ei, mask, Wrel, brel, Wroot).reshape(-1)
    k = int(math.ceil(ratio * n))
    _, perm = jax.lax.top_k(score, k)
    xk = x[perm] * jnp.tanh(score[perm])[:, None]
    # filter_adj with static shapes: remap nodes; dead edges -> (0,0) with mask 0
    mapping = jnp.full((n,), -1, jnp.int32).at[perm].set(jnp.arange(k, dtype=jnp.int32))
    nr = mapping[ei[0]]
    nc = mapping[ei[1]]
    valid = (nr >= 0) & (nc >= 0)
    nmask = mask * valid.astype(x.dtype)
    nr = jnp.where(valid, nr, 0)
    nc = jnp.where(valid, nc, 0)
    return xk, jnp.stack([nr, nc]), ew, nmask

def reference(x, edge_index, edge_attr, W1, b1, W2, b2, p1_Wrel, p1_brel, p1_Wroot, W3, b3, p2_Wrel, p2_brel, p2_Wroot, W4, b4, W5, b5):
    x = x.reshape(-1, 3)
    ei = edge_index.reshape(2, -1)
    ew = edge_attr.reshape(-1)
    mask = jnp.ones((ei.shape[1],), x.dtype)
    x = jax.nn.relu(_gcn_conv(x, ei, ew, mask, W1, b1))
    x = jax.nn.relu(_gcn_conv(x, ei, ew, mask, W2, b2))
    x, ei, ew, mask = _sag_pool(x, ei, ew, mask, p1_Wrel, p1_brel, p1_Wroot, RATIO)
    x = jax.nn.relu(_gcn_conv(x, ei, ew, mask, W3, b3))
    x, ei, ew, mask = _sag_pool(x, ei, ew, mask, p2_Wrel, p2_brel, p2_Wroot, RATIO)
    x = jax.nn.relu(_gcn_conv(x, ei, ew, mask, W4, b4))
    x = jax.nn.relu(_gcn_conv(x, ei, ew, mask, W5, b5))
    return x

if __name__ == "__main__":
    import jax
    _d = setup_inputs()
    print(jax.jit(kernel)(*tuple(_d.values())))

</pallas_src>

<mosaic_0001>
#map = affine_map<(d0, d1) -> (0)>
#map1 = affine_map<(d0, d1) -> (0, 0)>
#map2 = affine_map<(d0, d1) -> (0, 0, 0)>
module attributes {stable_mosaic.version = 14 : i64} {
  func.func @body(%arg0: i32, %arg1: i32, %arg2: memref<802816xi32, #tpu.memory_space<hbm>>, %arg3: memref<802816xf32, #tpu.memory_space<hbm>>, %arg4: memref<12500x16xf32, #tpu.memory_space<hbm>>, %arg5: memref<2x12500x16xf32, #tpu.memory_space<hbm>>, %arg6: memref<512xi32, #tpu.memory_space<vmem>>, %arg7: memref<512xf32, #tpu.memory_space<vmem>>, %arg8: memref<512x16xf32, #tpu.memory_space<vmem>>, %arg9: memref<12500x16xf32, #tpu.memory_space<vmem_shared>>) attributes {dimension_semantics = [#tpu.dimension_semantics<core_parallel>, #tpu.dimension_semantics<subcore_parallel>], iteration_bounds = array<i64: 2, 16>, scalar_prefetch = 0 : i64, scratch_operands = 4 : i64, tpu.core_type = #tpu.core_type<sc_vector_subcore>, window_params = [{transform_indices = #map}, {transform_indices = #map}, {transform_indices = #map1}, {transform_indices = #map2}]} {
    %eq3A = arith.constant 0 : i32
    %eq3A_0 = arith.cmpi eq, %arg1, %eq3A : i32
    %convert_element_type3A = arith.extui %eq3A_0 : i1 to i32
    %cond3A = arith.constant 0 : i32
    %cond3A_1 = arith.cmpi ne, %convert_element_type3A, %cond3A : i32
    scf.if %cond3A_1 {
      "tpu.region"() ({
        %run_scoped3A = tpu.sem_alloc : memref<!tpu.dma_semaphore, #tpu.memory_space<semaphore_mem>>
        tpu.enqueue_dma source(%arg4 : memref<12500x16xf32, #tpu.memory_space<hbm>>) target(%arg9 : memref<12500x16xf32, #tpu.memory_space<vmem_shared>>) target_semaphore(%run_scoped3A : memref<!tpu.dma_semaphore, #tpu.memory_space<semaphore_mem>>)
        tpu.wait_dma2 semaphore(%run_scoped3A : memref<!tpu.dma_semaphore, #tpu.memory_space<semaphore_mem>>) src(%arg4 : memref<12500x16xf32, #tpu.memory_space<hbm>>) dst(%arg9 : memref<12500x16xf32, #tpu.memory_space<vmem_shared>>)
        tpu.yield
      }) : () -> ()
    } else {
    }
    %barrier3A = arith.constant 0 : index
    tpu.barrier barrier_id(%barrier3A)
    %mul3A = arith.constant 401408 : i32
    %mul3A_2 = arith.muli %arg0, %mul3A : i32
    %mul3A_3 = arith.constant 25088 : i32
    %mul3A_4 = arith.muli %arg1, %mul3A_3 : i32
    %add3A = arith.addi %mul3A_2, %mul3A_4 : i32
    %scan3A = arith.constant 0 : i32
    %scan3A_5 = arith.constant 0 : i32
    %scan3A_6 = arith.constant 49 : i32
    %scan3A_7 = arith.addi %scan3A_5, %scan3A_6 : i32
    %scan3A_8 = arith.constant 1 : i32
    scf.for %scan3A_16 = %scan3A_5 to %scan3A_7 step %scan3A_8  : i32 {
      %mul3A_17 = arith.constant 512 : i32
      %mul3A_18 = arith.muli %scan3A_16, %mul3A_17 : i32
      %add3A_19 = arith.addi %add3A, %mul3A_18 : i32
      "tpu.region"() ({
        %run_scoped3A = tpu.sem_alloc : memref<!tpu.dma_semaphore, #tpu.memory_space<semaphore_mem>>
        %dma_start3A = tpu.memref_slice %arg2[%add3A_19] : memref<802816xi32, #tpu.memory_space<hbm>> -> memref<512xi32, #tpu.memory_space<hbm>>
        %dma_start3A_26 = tpu.memref_slice %arg2[%add3A_19] : memref<802816xi32, #tpu.memory_space<hbm>> -> memref<512xi32, #tpu.memory_space<hbm>>
        tpu.enqueue_dma source(%dma_start3A_26 : memref<512xi32, #tpu.memory_space<hbm>>) target(%arg6 : memref<512xi32, #tpu.memory_space<vmem>>) target_semaphore(%run_scoped3A : memref<!tpu.dma_semaphore, #tpu.memory_space<semaphore_mem>>)
        %dma_wait3A = tpu.memref_slice %arg2[%add3A_19] : memref<802816xi32, #tpu.memory_space<hbm>> -> memref<512xi32, #tpu.memory_space<hbm>>
        %dma_wait3A_27 = tpu.memref_slice %arg2[%add3A_19] : memref<802816xi32, #tpu.memory_space<hbm>> -> memref<512xi32, #tpu.memory_space<hbm>>
        tpu.wait_dma2 semaphore(%run_scoped3A : memref<!tpu.dma_semaphore, #tpu.memory_space<semaphore_mem>>) src(%dma_wait3A_27 : memref<512xi32, #tpu.memory_space<hbm>>) dst(%arg6 : memref<512xi32, #tpu.memory_space<vmem>>)
        tpu.yield
      }) : () -> ()
      "tpu.region"() ({
        %run_scoped3A = tpu.sem_alloc : memref<!tpu.dma_semaphore, #tpu.memory_space<semaphore_mem>>
        %dma_start3A = tpu.memref_slice %arg3[%add3A_19] : memref<802816xf32, #tpu.memory_space<hbm>> -> memref<512xf32, #tpu.memory_space<hbm>>
        %dma_start3A_26 = tpu.memref_slice %arg3[%add3A_19] : memref<802816xf32, #tpu.memory_space<hbm>> -> memref<512xf32, #tpu.memory_space<hbm>>
        tpu.enqueue_dma source(%dma_start3A_26 : memref<512xf32, #tpu.memory_space<hbm>>) target(%arg7 : memref<512xf32, #tpu.memory_space<vmem>>) target_semaphore(%run_scoped3A : memref<!tpu.dma_semaphore, #tpu.memory_space<semaphore_mem>>)
        %dma_wait3A = tpu.memref_slice %arg3[%add3A_19] : memref<802816xf32, #tpu.memory_space<hbm>> -> memref<512xf32, #tpu.memory_space<hbm>>
        %dma_wait3A_27 = tpu.memref_slice %arg3[%add3A_19] : memref<802816xf32, #tpu.memory_space<hbm>> -> memref<512xf32, #tpu.memory_space<hbm>>
        tpu.wait_dma2 semaphore(%run_scoped3A : memref<!tpu.dma_semaphore, #tpu.memory_space<semaphore_mem>>) src(%dma_wait3A_27 : memref<512xf32, #tpu.memory_space<hbm>>) dst(%arg7 : memref<512xf32, #tpu.memory_space<vmem>>)
        tpu.yield
      }) : () -> ()
      %scan3A_20 = arith.constant 0 : i32
      %scan3A_21 = arith.constant 0 : i32
      %scan3A_22 = arith.constant 32 : i32
      %scan3A_23 = arith.addi %scan3A_21, %scan3A_22 : i32
      %scan3A_24 = arith.constant 1 : i32
      scf.for %scan3A_26 = %scan3A_21 to %scan3A_23 step %scan3A_24  : i32 {
        %mul3A_27 = arith.constant 16 : i32
        %mul3A_28 = arith.muli %scan3A_26, %mul3A_27 : i32
        %get3A = arith.index_cast %mul3A_28 : i32 to index
        %get3A_29 = tpu.vector_load %arg7[%get3A] {strides = array<i32>} : memref<512xf32, #tpu.memory_space<vmem>>, vector<16xf32>,
        %get3A_30 = vector.shape_cast %get3A_29 : vector<16xf32> to vector<16xf32>
        %slice3A = vector.extract_strided_slice %get3A_30 {offsets = [0], sizes = [1], strides = [1]} : vector<16xf32> to vector<1xf32>
        %squeeze3A = vector.extract %slice3A[0] : f32 from vector<1xf32>
        %broadcast_in_dim3A = vector.broadcast %squeeze3A : f32 to vector<16xf32>
        %mul3A_31 = arith.constant 16 : i32
        %mul3A_32 = arith.muli %scan3A_26, %mul3A_31 : i32
        %add3A_33 = arith.constant 0 : i32
        %add3A_34 = arith.addi %mul3A_32, %add3A_33 : i32
        %swap3A = arith.index_cast %add3A_34 : i32 to index
        %swap3A_35 = arith.constant 0 : index
        %swap3A_36 = tpu.vector_load %arg8[%swap3A, %swap3A_35] {strides = array<i32>} : memref<512x16xf32, #tpu.memory_space<vmem>>, vector<1x16xf32>,
        %swap3A_37 = vector.shape_cast %swap3A_36 : vector<1x16xf32> to vector<16xf32>
        %swap3A_38 = vector.shape_cast %broadcast_in_dim3A : vector<16xf32> to vector<1x16xf32>
        tpu.vector_store %arg8[%swap3A, %swap3A_35], %swap3A_38 {strides = array<i32>} : memref<512x16xf32, #tpu.memory_space<vmem>>, vector<1x16xf32>,
        %slice3A_39 = vector.extract_strided_slice %get3A_30 {offsets = [1], sizes = [1], strides = [1]} : vector<16xf32> to vector<1xf32>
        %squeeze3A_40 = vector.extract %slice3A_39[0] : f32 from vector<1xf32>
        %broadcast_in_dim3A_41 = vector.broadcast %squeeze3A_40 : f32 to vector<16xf32>
        %mul3A_42 = arith.constant 16 : i32
        %mul3A_43 = arith.muli %scan3A_26, %mul3A_42 : i32
        %add3A_44 = arith.constant 1 : i32
        %add3A_45 = arith.addi %mul3A_43, %add3A_44 : i32
        %swap3A_46 = arith.index_cast %add3A_45 : i32 to index
        %swap3A_47 = arith.constant 0 : index
        %swap3A_48 = tpu.vector_load %arg8[%swap3A_46, %swap3A_47] {strides = array<i32>} : memref<512x16xf32, #tpu.memory_space<vmem>>, vector<1x16xf32>,
        %swap3A_49 = vector.shape_cast %swap3A_48 : vector<1x16xf32> to vector<16xf32>
        %swap3A_50 = vector.shape_cast %broadcast_in_dim3A_41 : vector<16xf32> to vector<1x16xf32>
        tpu.vector_store %arg8[%swap3A_46, %swap3A_47], %swap3A_50 {strides = array<i32>} : memref<512x16xf32, #tpu.memory_space<vmem>>, vector<1x16xf32>,
        %slice3A_51 = vector.extract_strided_slice %get3A_30 {offsets = [2], sizes = [1], strides = [1]} : vector<16xf32> to vector<1xf32>
        %squeeze3A_52 = vector.extract %slice3A_51[0] : f32 from vector<1xf32>
        %broadcast_in_dim3A_53 = vector.broadcast %squeeze3A_52 : f32 to vector<16xf32>
        %mul3A_54 = arith.constant 16 : i32
        %mul3A_55 = arith.muli %scan3A_26, %mul3A_54 : i32
        %add3A_56 = arith.constant 2 : i32
        %add3A_57 = arith.addi %mul3A_55, %add3A_56 : i32
        %swap3A_58 = arith.index_cast %add3A_57 : i32 to index
        %swap3A_59 = arith.constant 0 : index
        %swap3A_60 = tpu.vector_load %arg8[%swap3A_58, %swap3A_59] {strides = array<i32>} : memref<512x16xf32, #tpu.memory_space<vmem>>, vector<1x16xf32>,
        %swap3A_61 = vector.shape_cast %swap3A_60 : vector<1x16xf32> to vector<16xf32>
        %swap3A_62 = vector.shape_cast %broadcast_in_dim3A_53 : vector<16xf32> to vector<1x16xf32>
        tpu.vector_store %arg8[%swap3A_58, %swap3A_59], %swap3A_62 {strides = array<i32>} : memref<512x16xf32, #tpu.memory_space<vmem>>, vector<1x16xf32>,
        %slice3A_63 = vector.extract_strided_slice %get3A_30 {offsets = [3], sizes = [1], strides = [1]} : vector<16xf32> to vector<1xf32>
        %squeeze3A_64 = vector.extract %slice3A_63[0] : f32 from vector<1xf32>
        %broadcast_in_dim3A_65 = vector.broadcast %squeeze3A_64 : f32 to vector<16xf32>
        %mul3A_66 = arith.constant 16 : i32
        %mul3A_67 = arith.muli %scan3A_26, %mul3A_66 : i32
        %add3A_68 = arith.constant 3 : i32
        %add3A_69 = arith.addi %mul3A_67, %add3A_68 : i32
        %swap3A_70 = arith.index_cast %add3A_69 : i32 to index
        %swap3A_71 = arith.constant 0 : index
        %swap3A_72 = tpu.vector_load %arg8[%swap3A_70, %swap3A_71] {strides = array<i32>} : memref<512x16xf32, #tpu.memory_space<vmem>>, vector<1x16xf32>,
        %swap3A_73 = vector.shape_cast %swap3A_72 : vector<1x16xf32> to vector<16xf32>
        %swap3A_74 = vector.shape_cast %broadcast_in_dim3A_65 : vector<16xf32> to vector<1x16xf32>
        tpu.vector_store %arg8[%swap3A_70, %swap3A_71], %swap3A_74 {strides = array<i32>} : memref<512x16xf32, #tpu.memory_space<vmem>>, vector<1x16xf32>,
        %slice3A_75 = vector.extract_strided_slice %get3A_30 {offsets = [4], sizes = [1], strides = [1]} : vector<16xf32> to vector<1xf32>
        %squeeze3A_76 = vector.extract %slice3A_75[0] : f32 from vector<1xf32>
        %broadcast_in_dim3A_77 = vector.broadcast %squeeze3A_76 : f32 to vector<16xf32>
        %mul3A_78 = arith.constant 16 : i32
        %mul3A_79 = arith.muli %scan3A_26, %mul3A_78 : i32
        %add3A_80 = arith.constant 4 : i32
        %add3A_81 = arith.addi %mul3A_79, %add3A_80 : i32
        %swap3A_82 = arith.index_cast %add3A_81 : i32 to index
        %swap3A_83 = arith.constant 0 : index
        %swap3A_84 = tpu.vector_load %arg8[%swap3A_82, %swap3A_83] {strides = array<i32>} : memref<512x16xf32, #tpu.memory_space<vmem>>, vector<1x16xf32>,
        %swap3A_85 = vector.shape_cast %swap3A_84 : vector<1x16xf32> to vector<16xf32>
        %swap3A_86 = vector.shape_cast %broadcast_in_dim3A_77 : vector<16xf32> to vector<1x16xf32>
        tpu.vector_store %arg8[%swap3A_82, %swap3A_83], %swap3A_86 {strides = array<i32>} : memref<512x16xf32, #tpu.memory_space<vmem>>, vector<1x16xf32>,
        %slice3A_87 = vector.extract_strided_slice %get3A_30 {offsets = [5], sizes = [1], strides = [1]} : vector<16xf32> to vector<1xf32>
        %squeeze3A_88 = vector.extract %slice3A_87[0] : f32 from vector<1xf32>
        %broadcast_in_dim3A_89 = vector.broadcast %squeeze3A_88 : f32 to vector<16xf32>
        %mul3A_90 = arith.constant 16 : i32
        %mul3A_91 = arith.muli %scan3A_26, %mul3A_90 : i32
        %add3A_92 = arith.constant 5 : i32
        %add3A_93 = arith.addi %mul3A_91, %add3A_92 : i32
        %swap3A_94 = arith.index_cast %add3A_93 : i32 to index
        %swap3A_95 = arith.constant 0 : index
        %swap3A_96 = tpu.vector_load %arg8[%swap3A_94, %swap3A_95] {strides = array<i32>} : memref<512x16xf32, #tpu.memory_space<vmem>>, vector<1x16xf32>,
        %swap3A_97 = vector.shape_cast %swap3A_96 : vector<1x16xf32> to vector<16xf32>
        %swap3A_98 = vector.shape_cast %broadcast_in_dim3A_89 : vector<16xf32> to vector<1x16xf32>
        tpu.vector_store %arg8[%swap3A_94, %swap3A_95], %swap3A_98 {strides = array<i32>} : memref<512x16xf32, #tpu.memory_space<vmem>>, vector<1x16xf32>,
        %slice3A_99 = vector.extract_strided_slice %get3A_30 {offsets = [6], sizes = [1], strides = [1]} : vector<16xf32> to vector<1xf32>
        %squeeze3A_100 = vector.extract %slice3A_99[0] : f32 from vector<1xf32>
        %broadcast_in_dim3A_101 = vector.broadcast %squeeze3A_100 : f32 to vector<16xf32>
        %mul3A_102 = arith.constant 16 : i32
        %mul3A_103 = arith.muli %scan3A_26, %mul3A_102 : i32
        %add3A_104 = arith.constant 6 : i32
        %add3A_105 = arith.addi %mul3A_103, %add3A_104 : i32
        %swap3A_106 = arith.index_cast %add3A_105 : i32 to index
        %swap3A_107 = arith.constant 0 : index
        %swap3A_108 = tpu.vector_load %arg8[%swap3A_106, %swap3A_107] {strides = array<i32>} : memref<512x16xf32, #tpu.memory_space<vmem>>, vector<1x16xf32>,
        %swap3A_109 = vector.shape_cast %swap3A_108 : vector<1x16xf32> to vector<16xf32>
        %swap3A_110 = vector.shape_cast %broadcast_in_dim3A_101 : vector<16xf32> to vector<1x16xf32>
        tpu.vector_store %arg8[%swap3A_106, %swap3A_107], %swap3A_110 {strides = array<i32>} : memref<512x16xf32, #tpu.memory_space<vmem>>, vector<1x16xf32>,
        %slice3A_111 = vector.extract_strided_slice %get3A_30 {offsets = [7], sizes = [1], strides = [1]} : vector<16xf32> to vector<1xf32>
        %squeeze3A_112 = vector.extract %slice3A_111[0] : f32 from vector<1xf32>
        %broadcast_in_dim3A_113 = vector.broadcast %squeeze3A_112 : f32 to vector<16xf32>
        %mul3A_114 = arith.constant 16 : i32
        %mul3A_115 = arith.muli %scan3A_26, %mul3A_114 : i32
        %add3A_116 = arith.constant 7 : i32
        %add3A_117 = arith.addi %mul3A_115, %add3A_116 : i32
        %swap3A_118 = arith.index_cast %add3A_117 : i32 to index
        %swap3A_119 = arith.constant 0 : index
        %swap3A_120 = tpu.vector_load %arg8[%swap3A_118, %swap3A_119] {strides = array<i32>} : memref<512x16xf32, #tpu.memory_space<vmem>>, vector<1x16xf32>,
        %swap3A_121 = vector.shape_cast %swap3A_120 : vector<1x16xf32> to vector<16xf32>
        %swap3A_122 = vector.shape_cast %broadcast_in_dim3A_113 : vector<16xf32> to vector<1x16xf32>
        tpu.vector_store %arg8[%swap3A_118, %swap3A_119], %swap3A_122 {strides = array<i32>} : memref<512x16xf32, #tpu.memory_space<vmem>>, vector<1x16xf32>,
        %slice3A_123 = vector.extract_strided_slice %get3A_30 {offsets = [8], sizes = [1], strides = [1]} : vector<16xf32> to vector<1xf32>
        %squeeze3A_124 = vector.extract %slice3A_123[0] : f32 from vector<1xf32>
        %broadcast_in_dim3A_125 = vector.broadcast %squeeze3A_124 : f32 to vector<16xf32>
        %mul3A_126 = arith.constant 16 : i32
        %mul3A_127 = arith.muli %scan3A_26, %mul3A_126 : i32
        %add3A_128 = arith.constant 8 : i32
        %add3A_129 = arith.addi %mul3A_127, %add3A_128 : i32
        %swap3A_130 = arith.index_cast %add3A_129 : i32 to index
        %swap3A_131 = arith.constant 0 : index
        %swap3A_132 = tpu.vector_load %arg8[%swap3A_130, %swap3A_131] {strides = array<i32>} : memref<512x16xf32, #tpu.memory_space<vmem>>, vector<1x16xf32>,
        %swap3A_133 = vector.shape_cast %swap3A_132 : vector<1x16xf32> to vector<16xf32>
        %swap3A_134 = vector.shape_cast %broadcast_in_dim3A_125 : vector<16xf32> to vector<1x16xf32>
        tpu.vector_store %arg8[%swap3A_130, %swap3A_131], %swap3A_134 {strides = array<i32>} : memref<512x16xf32, #tpu.memory_space<vmem>>, vector<1x16xf32>,
        %slice3A_135 = vector.extract_strided_slice %get3A_30 {offsets = [9], sizes = [1], strides = [1]} : vector<16xf32> to vector<1xf32>
        %squeeze3A_136 = vector.extract %slice3A_135[0] : f32 from vector<1xf32>
        %broadcast_in_dim3A_137 = vector.broadcast %squeeze3A_136 : f32 to vector<16xf32>
        %mul3A_138 = arith.constant 16 : i32
        %mul3A_139 = arith.muli %scan3A_26, %mul3A_138 : i32
        %add3A_140 = arith.constant 9 : i32
        %add3A_141 = arith.addi %mul3A_139, %add3A_140 : i32
        %swap3A_142 = arith.index_cast %add3A_141 : i32 to index
        %swap3A_143 = arith.constant 0 : index
        %swap3A_144 = tpu.vector_load %arg8[%swap3A_142, %swap3A_143] {strides = array<i32>} : memref<512x16xf32, #tpu.memory_space<vmem>>, vector<1x16xf32>,
        %swap3A_145 = vector.shape_cast %swap3A_144 : vector<1x16xf32> to vector<16xf32>
        %swap3A_146 = vector.shape_cast %broadcast_in_dim3A_137 : vector<16xf32> to vector<1x16xf32>
        tpu.vector_store %arg8[%swap3A_142, %swap3A_143], %swap3A_146 {strides = array<i32>} : memref<512x16xf32, #tpu.memory_space<vmem>>, vector<1x16xf32>,
        %slice3A_147 = vector.extract_strided_slice %get3A_30 {offsets = [10], sizes = [1], strides = [1]} : vector<16xf32> to vector<1xf32>
        %squeeze3A_148 = vector.extract %slice3A_147[0] : f32 from vector<1xf32>
        %broadcast_in_dim3A_149 = vector.broadcast %squeeze3A_148 : f32 to vector<16xf32>
        %mul3A_150 = arith.constant 16 : i32
        %mul3A_151 = arith.muli %scan3A_26, %mul3A_150 : i32
        %add3A_152 = arith.constant 10 : i32
        %add3A_153 = arith.addi %mul3A_151, %add3A_152 : i32
        %swap3A_154 = arith.index_cast %add3A_153 : i32 to index
        %swap3A_155 = arith.constant 0 : index
        %swap3A_156 = tpu.vector_load %arg8[%swap3A_154, %swap3A_155] {strides = array<i32>} : memref<512x16xf32, #tpu.memory_space<vmem>>, vector<1x16xf32>,
        %swap3A_157 = vector.shape_cast %swap3A_156 : vector<1x16xf32> to vector<16xf32>
        %swap3A_158 = vector.shape_cast %broadcast_in_dim3A_149 : vector<16xf32> to vector<1x16xf32>
        tpu.vector_store %arg8[%swap3A_154, %swap3A_155], %swap3A_158 {strides = array<i32>} : memref<512x16xf32, #tpu.memory_space<vmem>>, vector<1x16xf32>,
        %slice3A_159 = vector.extract_strided_slice %get3A_30 {offsets = [11], sizes = [1], strides = [1]} : vector<16xf32> to vector<1xf32>
        %squeeze3A_160 = vector.extract %slice3A_159[0] : f32 from vector<1xf32>
        %broadcast_in_dim3A_161 = vector.broadcast %squeeze3A_160 : f32 to vector<16xf32>
        %mul3A_162 = arith.constant 16 : i32
        %mul3A_163 = arith.muli %scan3A_26, %mul3A_162 : i32
        %add3A_164 = arith.constant 11 : i32
        %add3A_165 = arith.addi %mul3A_163, %add3A_164 : i32
        %swap3A_166 = arith.index_cast %add3A_165 : i32 to index
        %swap3A_167 = arith.constant 0 : index
        %swap3A_168 = tpu.vector_load %arg8[%swap3A_166, %swap3A_167] {strides = array<i32>} : memref<512x16xf32, #tpu.memory_space<vmem>>, vector<1x16xf32>,
        %swap3A_169 = vector.shape_cast %swap3A_168 : vector<1x16xf32> to vector<16xf32>
        %swap3A_170 = vector.shape_cast %broadcast_in_dim3A_161 : vector<16xf32> to vector<1x16xf32>
        tpu.vector_store %arg8[%swap3A_166, %swap3A_167], %swap3A_170 {strides = array<i32>} : memref<512x16xf32, #tpu.memory_space<vmem>>, vector<1x16xf32>,
        %slice3A_171 = vector.extract_strided_slice %get3A_30 {offsets = [12], sizes = [1], strides = [1]} : vector<16xf32> to vector<1xf32>
        %squeeze3A_172 = vector.extract %slice3A_171[0] : f32 from vector<1xf32>
        %broadcast_in_dim3A_173 = vector.broadcast %squeeze3A_172 : f32 to vector<16xf32>
        %mul3A_174 = arith.constant 16 : i32
        %mul3A_175 = arith.muli %scan3A_26, %mul3A_174 : i32
        %add3A_176 = arith.constant 12 : i32
        %add3A_177 = arith.addi %mul3A_175, %add3A_176 : i32
        %swap3A_178 = arith.index_cast %add3A_177 : i32 to index
        %swap3A_179 = arith.constant 0 : index
        %swap3A_180 = tpu.vector_load %arg8[%swap3A_178, %swap3A_179] {strides = array<i32>} : memref<512x16xf32, #tpu.memory_space<vmem>>, vector<1x16xf32>,
        %swap3A_181 = vector.shape_cast %swap3A_180 : vector<1x16xf32> to vector<16xf32>
        %swap3A_182 = vector.shape_cast %broadcast_in_dim3A_173 : vector<16xf32> to vector<1x16xf32>
        tpu.vector_store %arg8[%swap3A_178, %swap3A_179], %swap3A_182 {strides = array<i32>} : memref<512x16xf32, #tpu.memory_space<vmem>>, vector<1x16xf32>,
        %slice3A_183 = vector.extract_strided_slice %get3A_30 {offsets = [13], sizes = [1], strides = [1]} : vector<16xf32> to vector<1xf32>
        %squeeze3A_184 = vector.extract %slice3A_183[0] : f32 from vector<1xf32>
        %broadcast_in_dim3A_185 = vector.broadcast %squeeze3A_184 : f32 to vector<16xf32>
        %mul3A_186 = arith.constant 16 : i32
        %mul3A_187 = arith.muli %scan3A_26, %mul3A_186 : i32
        %add3A_188 = arith.constant 13 : i32
        %add3A_189 = arith.addi %mul3A_187, %add3A_188 : i32
        %swap3A_190 = arith.index_cast %add3A_189 : i32 to index
        %swap3A_191 = arith.constant 0 : index
        %swap3A_192 = tpu.vector_load %arg8[%swap3A_190, %swap3A_191] {strides = array<i32>} : memref<512x16xf32, #tpu.memory_space<vmem>>, vector<1x16xf32>,
        %swap3A_193 = vector.shape_cast %swap3A_192 : vector<1x16xf32> to vector<16xf32>
        %swap3A_194 = vector.shape_cast %broadcast_in_dim3A_185 : vector<16xf32> to vector<1x16xf32>
        tpu.vector_store %arg8[%swap3A_190, %swap3A_191], %swap3A_194 {strides = array<i32>} : memref<512x16xf32, #tpu.memory_space<vmem>>, vector<1x16xf32>,
        %slice3A_195 = vector.extract_strided_slice %get3A_30 {offsets = [14], sizes = [1], strides = [1]} : vector<16xf32> to vector<1xf32>
        %squeeze3A_196 = vector.extract %slice3A_195[0] : f32 from vector<1xf32>
        %broadcast_in_dim3A_197 = vector.broadcast %squeeze3A_196 : f32 to vector<16xf32>
        %mul3A_198 = arith.constant 16 : i32
        %mul3A_199 = arith.muli %scan3A_26, %mul3A_198 : i32
        %add3A_200 = arith.constant 14 : i32
        %add3A_201 = arith.addi %mul3A_199, %add3A_200 : i32
        %swap3A_202 = arith.index_cast %add3A_201 : i32 to index
        %swap3A_203 = arith.constant 0 : index
        %swap3A_204 = tpu.vector_load %arg8[%swap3A_202, %swap3A_203] {strides = array<i32>} : memref<512x16xf32, #tpu.memory_space<vmem>>, vector<1x16xf32>,
        %swap3A_205 = vector.shape_cast %swap3A_204 : vector<1x16xf32> to vector<16xf32>
        %swap3A_206 = vector.shape_cast %broadcast_in_dim3A_197 : vector<16xf32> to vector<1x16xf32>
        tpu.vector_store %arg8[%swap3A_202, %swap3A_203], %swap3A_206 {strides = array<i32>} : memref<512x16xf32, #tpu.memory_space<vmem>>, vector<1x16xf32>,
        %slice3A_207 = vector.extract_strided_slice %get3A_30 {offsets = [15], sizes = [1], strides = [1]} : vector<16xf32> to vector<1xf32>
        %squeeze3A_208 = vector.extract %slice3A_207[0] : f32 from vector<1xf32>
        %broadcast_in_dim3A_209 = vector.broadcast %squeeze3A_208 : f32 to vector<16xf32>
        %mul3A_210 = arith.constant 16 : i32
        %mul3A_211 = arith.muli %scan3A_26, %mul3A_210 : i32
        %add3A_212 = arith.constant 15 : i32
        %add3A_213 = arith.addi %mul3A_211, %add3A_212 : i32
        %swap3A_214 = arith.index_cast %add3A_213 : i32 to index
        %swap3A_215 = arith.constant 0 : index
        %swap3A_216 = tpu.vector_load %arg8[%swap3A_214, %swap3A_215] {strides = array<i32>} : memref<512x16xf32, #tpu.memory_space<vmem>>, vector<1x16xf32>,
        %swap3A_217 = vector.shape_cast %swap3A_216 : vector<1x16xf32> to vector<16xf32>
        %swap3A_218 = vector.shape_cast %broadcast_in_dim3A_209 : vector<16xf32> to vector<1x16xf32>
        tpu.vector_store %arg8[%swap3A_214, %swap3A_215], %swap3A_218 {strides = array<i32>} : memref<512x16xf32, #tpu.memory_space<vmem>>, vector<1x16xf32>,
      }
      %scan3A_25 = arith.constant 32 : i32
      "tpu.region"() ({
        %run_scoped3A = tpu.sem_alloc : memref<!tpu.dma_semaphore, #tpu.memory_space<semaphore_mem>>
        %dma_start3A = arith.constant 0 : i32
        %dma_start3A_26 = arith.constant 0 : i32
        %dma_start3A_27 = tpu.memref_slice %arg9[%dma_start3A, %dma_start3A_26] : memref<12500x16xf32, #tpu.memory_space<vmem_shared>> -> memref<12500x16xf32, #tpu.memory_space<vmem_shared>>
        tpu.enqueue_indirect_dma source(%arg8 : memref<512x16xf32, #tpu.memory_space<vmem>>) target(%dma_start3A_27 : memref<12500x16xf32, #tpu.memory_space<vmem_shared>>) offsets(%arg6 : memref<512xi32, #tpu.memory_space<vmem>>) semaphore(%run_scoped3A : memref<!tpu.dma_semaphore, #tpu.memory_space<semaphore_mem>>) {add = true}
        %dma_wait3A = arith.constant 0 : i32
        %dma_wait3A_28 = arith.constant 0 : i32
        %dma_wait3A_29 = tpu.memref_slice %arg9[%dma_wait3A, %dma_wait3A_28] : memref<12500x16xf32, #tpu.memory_space<vmem_shared>> -> memref<12500x16xf32, #tpu.memory_space<vmem_shared>>
        tpu.wait_indirect_dma semaphore(%run_scoped3A : memref<!tpu.dma_semaphore, #tpu.memory_space<semaphore_mem>>) src(%arg8 : memref<512x16xf32, #tpu.memory_space<vmem>>) dst(%dma_wait3A_29 : memref<12500x16xf32, #tpu.memory_space<vmem_shared>>)
        tpu.yield
      }) : () -> ()
    }
    %scan3A_9 = arith.constant 49 : i32
    %barrier3A_10 = arith.constant 0 : index
    tpu.barrier barrier_id(%barrier3A_10)
    %eq3A_11 = arith.constant 0 : i32
    %eq3A_12 = arith.cmpi eq, %arg1, %eq3A_11 : i32
    %convert_element_type3A_13 = arith.extui %eq3A_12 : i1 to i32
    %cond3A_14 = arith.constant 0 : i32
    %cond3A_15 = arith.cmpi ne, %convert_element_type3A_13, %cond3A_14 : i32
    scf.if %cond3A_15 {
      "tpu.region"() ({
        %run_scoped3A = tpu.sem_alloc : memref<!tpu.dma_semaphore, #tpu.memory_space<semaphore_mem>>
        %dma_start3A = arith.constant 0 : i32
        %dma_start3A_16 = arith.constant 0 : i32
        %dma_start3A_17 = tpu.memref_slice %arg5[%arg0, %dma_start3A, %dma_start3A_16] : memref<2x12500x16xf32, #tpu.memory_space<hbm>> -> memref<1x12500x16xf32, #tpu.memory_space<hbm>>
        %dma_start3A_18 = tpu.memref_squeeze %dma_start3A_17 : memref<1x12500x16xf32, #tpu.memory_space<hbm>> -> memref<12500x16xf32, #tpu.memory_space<hbm>>
        tpu.enqueue_dma source(%arg9 : memref<12500x16xf32, #tpu.memory_space<vmem_shared>>) target(%dma_start3A_18 : memref<12500x16xf32, #tpu.memory_space<hbm>>) target_semaphore(%run_scoped3A : memref<!tpu.dma_semaphore, #tpu.memory_space<semaphore_mem>>)
        %dma_wait3A = arith.constant 0 : i32
        %dma_wait3A_19 = arith.constant 0 : i32
        %dma_wait3A_20 = tpu.memref_slice %arg5[%arg0, %dma_wait3A, %dma_wait3A_19] : memref<2x12500x16xf32, #tpu.memory_space<hbm>> -> memref<1x12500x16xf32, #tpu.memory_space<hbm>>
        %dma_wait3A_21 = tpu.memref_squeeze %dma_wait3A_20 : memref<1x12500x16xf32, #tpu.memory_space<hbm>> -> memref<12500x16xf32, #tpu.memory_space<hbm>>
        tpu.wait_dma2 semaphore(%run_scoped3A : memref<!tpu.dma_semaphore, #tpu.memory_space<semaphore_mem>>) src(%arg9 : memref<12500x16xf32, #tpu.memory_space<vmem_shared>>) dst(%dma_wait3A_21 : memref<12500x16xf32, #tpu.memory_space<hbm>>)
        tpu.yield
      }) : () -> ()
    } else {
    }
    return
  }
}

</mosaic_0001>

<sc_bundles>
// kernel: _deg_pass.3.cloned.1.call-start
scs
__scs_entry_jumppad:
0x0: {  	(pc) =	sbr.rel $0x88, $3  }
0x1: {  	(tag) =	ssettag $0x0;
	lr =	simm.s32 $0x1  }
0x2: {  	[smem:$0x3F9E] =	sst lr;
	_ =	strace $0xD0000000  }
0x3: {  	_ = 	snop  }
0x4: {  	_ = 	snop  }
0x5: {  	_ = 	snop  }
0x6: {  	_ = 	snop  }
0x7: {  	_ = 	snop  }
__scs_overlays_trampoline_lowered:
0x8: {  	[smem:$0x3FAD] =	sst s0  }
0x9: {  	[smem:$0x3FAE] =	sst s1  }
0xa: {  	[smem:$0x3FAF] =	sst s2  }
0xb: {  	[smem:$0x3FB0] =	sst s3  }
0xc: {  	[smem:$0x3FB1] =	sst s4  }
0xd: {  	[smem:$0x3FB2] =	sst s5  }
0xe: {  	[smem:$0x3FB3] =	sst s6  }
0xf: {  	[smem:$0x3FB4] =	sst s7  }
0x10: {  	[smem:$0x3FB5] =	sst s8  }
0x11: {  	[smem:$0x3FB6] =	sst s9;
	s0 =	simm.s32 @!p0 $0x0  }
0x12: {  	s1 =	sld [smem:$0x3F9C];
	s0 =	simm.s32 @p0 $0x1  }
0x13: {  	[smem:$0x3FB7] =	sst s0;
	s0 =	simm.s32 @!p1 $0x0  }
0x14: {  	s2 =	sld [smem:$0x3F9B];
	s0 =	simm.s32 @p1 $0x1  }
0x15: {  	[smem:$0x3FB8] =	sst s0;
	s0 =	simm.s32 @!p2 $0x0  }
0x16: {  	s3 =	sld [smem:$0x3FDB];
	s0 =	simm.s32 @p2 $0x1  }
0x17: {  	s4 =	simm.s32 $0x1BF5;
	[smem:$0x3FBA] =	sst s0  }
0x18: {  	s0 =	sld [smem:$0x3F9D];
	_ =	swait.ge [sflag:s4], $0x0  }
0x19: {  	s7 =	sld [smem:$0x3F9E]  }
0x1a: {  	s8 =	sadd.s32 $0xFFFFE003, lr  }
0x1b: {  	s9 =	sadd.s32 $0xFFFFFEF7, lr;
	s5 =	simm.s32 $0xFFFFFFFF;
	p2 =	slt.u32 s8, $0xFFFFF086  }
0x1c: {  	p1 =	slt.u32 s9, $0xF7A;
	s5 =	simm.s32 @!p2 $0x0  }
0x1d: {  	s5 =	simm.s32 @p1 $0x1;
	p0 =	seq.s32 s7, s2  }
0x1e: {  	s7 =	smul.u32 @!p0 $0xF7A, s2;
	p2 =	seq.s32 @!p0 s5, $0x0  }
0x1f: {  	s9 =	smul.u32 $0xF7A, s1;
	s8 =	simm.s32 @!p0 $0x1BF5;
	p2 =	por !p2, p0  }
0x20: {  	[sflag:s8] =	ssyncset.s32 @!p0 $0xFFFFF086;
	s6 =	sadd.s32 @!p0 s3, s7;
	s7 =	simm.s32 @!p0 $0x108  }
0x21: {  	s3 =	sadd.s32 s3, s9;
	s6 =	sadd.s32 @!p0 $0x88, s6;
	s7 =	simm.s32 @p2 $0x1082  }
0x22: {  	[simem:s7], [sflag:s8] =	dma.local @!p0 [hbm:s6], $0xF7A  }
0x23: {  	s9 =	sor.u32 $0xD0000000, s2;
	s6 =	simm.s32 $0x108;
	_ =	swait.ge @!p0 [sflag:s8], $0x0  }
0x24: {  	s3 =	sadd.s32 $0x88, s3;
	s6 =	simm.s32 @!p1 $0x1082;
	[sflag:s4] =	ssyncset.s32 $0xFFFFF086  }
0x25: {  	[simem:s6], [sflag:s4] =	dma.local [hbm:s3], $0xF7A  }
0x26: {  	[smem:$0x3F9E] =	sst s1;
	(tag) =	ssettag s2;
	_ =	strace s9  }
0x27: {  	s1 =	sld [smem:$0x3FAE]  }
0x28: {  	s2 =	sld [smem:$0x3FAF]  }
0x29: {  	s4 =	sld [smem:$0x3FB1]  }
0x2a: {  	p0 =	seq.s32 s5, $0x0;
	s5 =	sld [smem:$0x3FB2]  }
0x2b: {  	s6 =	sld [smem:$0x3FB3]  }
0x2c: {  	s7 =	sld [smem:$0x3FB4]  }
0x2d: {  	s3 =	simm.s32 $0x108;
	s8 =	sld [smem:$0x3FB5]  }
0x2e: {  	s3 =	simm.s32 @!p0 $0x1082;
	s9 =	sld [smem:$0x3FB6]  }
0x2f: {  	lr =	sadd.s32 s0, s3;
	s0 =	sld [smem:$0x3FAD]  }
0x30: {  	s3 =	sld [smem:$0x3FB0]  }
0x31: {  	[smem:$0x3FB9] =	sst s10  }
0x32: {  	s10 =	sld [smem:$0x3FB7];
	_ =	sdelay $0x3  }
0x33: {  	p0 =	seq.s32 s10, $0x1;
	s10 =	sld [smem:$0x3FB9];
	_ =	sdelay $0x3  }
0x34: {  	[smem:$0x3FB9] =	sst s10  }
0x35: {  	s10 =	sld [smem:$0x3FB8];
	_ =	sdelay $0x3  }
0x36: {  	p1 =	seq.s32 s10, $0x1;
	s10 =	sld [smem:$0x3FB9];
	_ =	sdelay $0x3  }
0x37: {  	[smem:$0x3FB9] =	sst s10  }
0x38: {  	s10 =	sld [smem:$0x3FBA]  }
0x39: {  	_ = 	snop;
	(pc) =	sbr.ind lr, $3  }
0x3a: {  	_ = 	snop  }
0x3b: {  	_ = 	snop  }
0x3c: {  	p2 =	seq.s32 s10, $0x1;
	s10 =	sld [smem:$0x3FB9]  }
0x3d: {  	_ =	shalt  }
0x3e: {  	_ =	shalt  }
0x3f: {  	_ =	shalt  }
0x40: {  	_ =	shalt  }
0x41: {  	_ =	shalt  }
0x42: {  	_ =	shalt  }
0x43: {  	_ =	shalt  }
0x44: {  	_ =	shalt  }
0x45: {  	_ =	shalt  }
0x46: {  	_ =	shalt  }
0x47: {  	_ =	shalt  }
0x48: {  	_ =	shalt  }
0x49: {  	_ =	shalt  }
0x4a: {  	_ =	shalt  }
0x4b: {  	_ =	shalt  }
0x4c: {  	_ =	shalt  }
0x4d: {  	_ =	shalt  }
0x4e: {  	_ =	shalt  }
0x4f: {  	_ =	shalt  }
0x50: {  	_ =	shalt  }
0x51: {  	_ =	shalt  }
0x52: {  	_ =	shalt  }
0x53: {  	_ =	shalt  }
0x54: {  	_ =	shalt  }
0x55: {  	_ =	shalt  }
0x56: {  	_ =	shalt  }
0x57: {  	_ =	shalt  }
0x58: {  	_ =	shalt  }
0x59: {  	_ =	shalt  }
0x5a: {  	_ =	shalt  }
0x5b: {  	_ =	shalt  }
0x5c: {  	_ =	shalt  }
0x5d: {  	_ =	shalt  }
0x5e: {  	_ =	shalt  }
0x5f: {  	_ =	shalt  }
0x60: {  	_ =	shalt  }
0x61: {  	_ =	shalt  }
0x62: {  	_ =	shalt  }
0x63: {  	_ =	shalt  }
0x64: {  	_ =	shalt  }
0x65: {  	_ =	shalt  }
0x66: {  	_ =	shalt  }
0x67: {  	_ =	shalt  }
0x68: {  	_ =	shalt  }
0x69: {  	_ =	shalt  }
0x6a: {  	_ =	shalt  }
0x6b: {  	_ =	shalt  }
0x6c: {  	_ =	shalt  }
0x6d: {  	_ =	shalt  }
0x6e: {  	_ =	shalt  }
0x6f: {  	_ =	shalt  }
0x70: {  	_ =	shalt  }
0x71: {  	_ =	shalt  }
0x72: {  	_ =	shalt  }
0x73: {  	_ =	shalt  }
0x74: {  	_ =	shalt  }
0x75: {  	_ =	shalt  }
0x76: {  	_ =	shalt  }
0x77: {  	_ =	shalt  }
0x78: {  	_ =	shalt  }
0x79: {  	_ =	shalt  }
0x7a: {  	_ =	shalt  }
0x7b: {  	_ =	shalt  }
0x7c: {  	_ =	shalt  }
0x7d: {  	_ =	shalt  }
0x7e: {  	_ =	shalt  }
0x7f: {  	_ =	shalt  }
0x80: {  	_ =	shalt  }
0x81: {  	_ =	shalt  }
0x82: {  	_ =	shalt  }
0x83: {  	_ =	shalt  }
0x84: {  	_ =	shalt  }
0x85: {  	_ =	shalt  }
0x86: {  	_ =	shalt  }
0x87: {  	_ =	shalt  }
.Lfunc_end0:
.L_simem_size_0:
called_computation_lowered:
.L_overlay_start_0:
0x88: {  	s2 =	sld [smem:$0x3FD9]  }
0x89: {  	s3 =	sld [smem:$0x3FFE];
	_ =	sdelay $0x1  }
0x8a: {  	s1 =	srdreg.scid  }
0x8b: {  	s0 =	sand.u32 $0x1, s1  }
0x8c: {  	s17 =	sshll.u32 s0, $0xA;
	s2 =	sadd.s32 s3, s2  }
0x8d: {  	s2 =	sadd.s32 s2, s17  }
0x8e: {  	[smem:$0x3FC5] =	sst s2  }
0x8f: {  	_ = 	snop  }
0x90: {  	s2 =	sld [smem:$0x3FC9]  }
0x91: {  	s18 =	sld [smem:$0x3FC8]  }
0x92: {  	s4 =	sld [smem:$0x3FD0];
	(tm) =	ssettm $0x1  }
0x93: {  	s5 =	sld [smem:$0x3FFB];
	_ =	sdelay $0x3  }
0x94: {  	_ =	strace s5  }
0x95: {  	s5 =	sld [smem:$0x3FFC];
	_ =	sdelay $0x3  }
0x96: {  	_ =	strace s5  }
0x97: {  	s5 =	sld [smem:$0x3FFD];
	_ =	sdelay $0x3  }
0x98: {  	_ =	strace s5  }
0x99: {  	_ =	strace $0x8FFFFFFF  }
0x9a: {  	s19 =	sld [smem:$0x3FDB];
	_ =	sdelay $0x1  }
0x9b: {  	s6 =	simm.s32 $_scs_section_size  }
0x9c: {  	s7 =	simm.s32 $_size__tile_overlayer_lowered;
	s8 =	simm.s32 $_tile_overlayer_lowered  }
0x9d: {  	s22 =	simm.s32 $0x1BFF;
	s21 =	sshll.u32 s8, $0x1;
	s5 =	sadd.s32 s6, s19  }
0x9e: {  	s9 =	simm.s32 $0x0;
	s20 =	sshll.u32 s7, $0x1;
	s7 =	sadd.s32 s21, s5  }
0x9f: {  	[timem:s9], [sflag:s22] =	dma.local [hbm:s7], s20  }
0xa0: {  	_ =	swait.ge [sflag:s22], s20  }
0xa1: {  	s6 =	ssub.s32 $0x0, s20;
	[sflag:s22] =	ssyncset.done $0x0  }
0xa2: {  	[sflag:s22] =	ssyncadd.s32 s6;
	_ =	sdelay $0x1  }
0xa3: {  	s23 =	simm.s32 $0x1B8B  }
0xa4: {  	_ =	swait.ge [sflag:s23], $0x1  }
0xa5: {  	[sflag:s23] =	ssyncset.done $0x0  }
0xa6: {  	s25 =	simm.s32 $0x1B8E;
	s24 =	sld [smem:$0x3FFE];
	[sflag:s23] =	ssyncadd.s32 $0xFFFFFFFF  }
0xa7: {  	s26 =	simm.s32 $execute0_lowered;
	[smem:$0x3FD2] =	sst s25  }
0xa8: {  	s7 =	sshll.u32 s26, $0x1;
	_ =	strace $0x80000046;
	[dreg:$0x1] =	wrdreg $0xFFFFFFFF  }
0xa9: {  	s28 =	simm.s32 $_size_execute0_lowered;
	s5 =	sadd.s32 s5, s7;
	[dreg:$0x0] =	wrdreg $0x0  }
0xaa: {  	s7 =	sshll.u32 s28, $0x1;
	[dreg:$0x2] =	wrdreg s5  }
0xab: {  	[dreg:$0x3] =	wrdreg s7  }
0xac: {  	[dreg:$0x4] =	wrdreg $0xC0  }
0xad: {  	_ =	task [dreg:s9], $0x5FFFF  }
0xae: {  	[dreg:$0x1] =	wrdreg $0xFFFFFFFF  }
0xaf: {  	[dreg:$0x0] =	wrdreg $0x60  }
0xb0: {  	[dreg:$0x2] =	wrdreg s2  }
0xb1: {  	[dreg:$0x3] =	wrdreg s18  }
0xb2: {  	[dreg:$0x4] =	wrdreg s24  }
0xb3: {  	[dreg:$0x5] =	wrdreg s4  }
0xb4: {  	[dreg:$0x6] =	wrdreg $0x24000  }
0xb5: {  	[dreg:$0x7] =	wrdreg $0x9  }
0xb6: {  	_ =	task.clear_ibuf [dreg:s9], $0x8FFFF;
	_ =	strace $0x90000046  }
0xb7: {  	s29 =	simm.s32 $0x9;
	_ =	strace $0x80000048  }
0xb8: {  	_ =	swait.ge [sflag:s29], $0x1  }
0xb9: {  	[sflag:s29] =	ssyncadd.s32 $0xFFFFFFFF  }
0xba: {  	_ =	strace $0x90000048  }
0xbb: {  	_ =	sfence  }
0xbc: {  	s30 =	sld [smem:$0x0];
	_ =	sdelay $0x2  }
0xbd: {  	s31 =	sshll.u32 s1, $0xD;
	s1 =	sshrl.u32 s1, $0x2  }
0xbe: {  	s3 =	sand.u32 $0x4000, s31;
	s1 =	sadd.s32 s1, s30  }
0xbf: {  	s0 =	sor.u32 s3, s0;
	s1 =	sshll.u32 s1, $0x11  }
0xc0: {  	s0 =	sor.u32 s1, s0  }
0xc1: {  	s0 =	sadd.s32 $0x8F2B, s0  }
0xc2: {  	[sflag:s0] =	ssyncadd.remote.s32 $0x1  }
0xc3: {  	_ =	sfence.sel $0xFFFF  }
0xc4: {  	[dreg:$0x0] =	wrdreg $0xFFFFFFFF;
	(pc) =	sbr.abs _section_cstart, $3  }
0xc5: {  	[dreg:$0x1] =	wrdreg $0xFFFFFFFF  }
0xc6: {  	_ =	task.clear_ibuf [dreg:s9], $0x2FFFF;
	_ =	strace $0x9FFFFFFF  }
0xc7: {  	(tm) =	ssettm $0x7FFFFFFF  }
tec
execute0_lowered:
.L_overlay_start_1:
0x0: {  	(tag) =	ssettag $0x1  }
0x1: {  	s0 =	rddreg [dreg:$0x0]  }
0x2: {  	s2 =	rddreg [dreg:$0x1]  }
0x3: {  	s5 =	rddreg [dreg:$0x2]  }
0x4: {  	s7 =	rddreg [dreg:$0x3]  }
0x5: {  	s3 =	rddreg [dreg:$0x4]  }
0x6: {  	s4 =	srdreg.scid;
	s8 =	stileid.u32  }
0x7: {  	s1 =	rddreg [dreg:$0x5];
	s6 =	sand.u32 $0x1, s4;
	s11 =	smul.u32 $0x6200, s8  }
0x8: {  	s4 =	simm.s32 $0x0;
	s5 =	sadd.s32 $0x400, s5;
	s9 =	smul.u32 $0x62000, s6  }
0x9: {  	s10 =	ssub.s32 $0x2, s6;
	[smem:$0x7FF] =	sst s4;
	s13 =	smul.u32 $0x61A8, s6  }
0xa: {  	p0 =	sne.s32 s8, $0x0;
	s12 =	sshrl.u32 s10, $0x1;
	_ =	strace $0x80000047  }
0xb: {  	s10 =	ssub.s32 s10, s12;
	s6 =	sadd.s32 s11, s9;
	s7 =	sadd.s32 s7, s13  }
0xc: {  	s9 =	sshrl.u32 @!p0 s3, $0x3;
	s11 =	simm.s32 $0x200;
	s12 =	simm.s32 $0x400  }
0xd: {  	s13 =	simm.s32 $0x0;
	s8 =	smax.u32 s10, $0x1;
	s10 =	simm.s32 $0x1  }
.LBB2_1:
0xe: {  	s14 =	simm.s32 @!p0 $0x1C01  }
0xf: {  	[spmem:s9], [sflag:s14] =	dma.local @!p0 [hbm:s5], $0x61A8  }
0x10: {  	s14 =	simm.s32 @!p0 $0x1  }
0x11: {  	_ =	swait.ge @!p0 [sflag:s14], $0x61A8  }
0x12: {  	[sflag:s14] =	ssyncset.done @!p0 $0x0  }
0x13: {  	[sflag:s14] =	ssyncadd.s32 @!p0 $0xFFFF9E58  }
0x14: {  	s14 =	simm.s32 $0x0;
	[bflag:$0x0] =	sbarrier.arrive $0xFFFF  }
.LBB2_2:
0x15: {  	s15 =	sshll.u32 s14, $0x9  }
0x16: {  	s15 =	sadd.s32 s15, s6  }
0x17: {  	s15 =	sshrl.u32 s15, $0x3  }
0x18: {  	s17 =	simm.s32 $0x0;
	s16 =	sadd.s32 s0, s15  }
0x19: {  	[tilespmem:s17], [sflag:$0x1] =	stream.linear.gather [hbm4b:s16+s17], $0x200, $0x38;
	[tilespmem:$0x54D8] =	vst v63  }
0x1a: {  	_ =	swait.ge [sflag:s10], $0x200  }
0x1b: {  	[sflag:s10] =	ssyncset.done $0x0  }
0x1c: {  	s15 =	sadd.s32 s2, s15;
	[sflag:s10] =	ssyncadd.s32 $0xFFFFFE00  }
0x1d: {  	[tilespmem:s11], [sflag:$0x1] =	stream.linear.gather [hbm4b:s15+s17], $0x200, $0x38;
	[tilespmem:$0x54D8] =	vst v63  }
0x1e: {  	_ =	swait.ge [sflag:s10], $0x200  }
0x1f: {  	[sflag:s10] =	ssyncset.done $0x0  }
0x20: {  	s31 =	simm.s32 $0x0;
	[sflag:s10] =	ssyncadd.s32 $0xFFFFFE00  }
0x21: {  	v0 =	vld [tilespmem:s31+$0x200];
	_ =	sdelay $0x4  }
0x22: {  	v1 =	vbroadcast v0, $0x0  }
0x23: {  	s15 =	simm.s32 $0x480;
	v2 =	vbroadcast v0, $0x1  }
0x24: {  	v3 =	vbroadcast v0, $0x2;
	[tilespmem:s15+$0xFFFFFF80] =	vst v1  }
0x25: {  	v52 =	vbroadcast v0, $0x3;
	[tilespmem:s15+$0xFFFFFF90] =	vst v2  }
0x26: {  	v53 =	vbroadcast v0, $0x4;
	[tilespmem:s15+$0xFFFFFFA0] =	vst v3  }
0x27: {  	v54 =	vbroadcast v0, $0x5;
	[tilespmem:s15+$0xFFFFFFB0] =	vst v52  }
0x28: {  	v55 =	vbroadcast v0, $0x6;
	[tilespmem:s15+$0xFFFFFFC0] =	vst v53  }
0x29: {  	v56 =	vbroadcast v0, $0x7;
	[tilespmem:s15+$0xFFFFFFD0] =	vst v54  }
0x2a: {  	v57 =	vbroadcast v0, $0x8;
	[tilespmem:s15+$0xFFFFFFE0] =	vst v55  }
0x2b: {  	v58 =	vbroadcast v0, $0x9;
	[tilespmem:s15+$0xFFFFFFF0] =	vst v56  }
0x2c: {  	v59 =	vbroadcast v0, $0xA;
	[tilespmem:s15+$0x0] =	vst v57  }
0x2d: {  	v60 =	vbroadcast v0, $0xB;
	[tilespmem:s15+$0x10] =	vst v58  }
0x2e: {  	v61 =	vbroadcast v0, $0xC;
	[tilespmem:s15+$0x20] =	vst v59  }
0x2f: {  	v62 =	vbroadcast v0, $0xD;
	[tilespmem:s15+$0x30] =	vst v60  }
0x30: {  	v63 =	vbroadcast v0, $0xE;
	[tilespmem:s15+$0x40] =	vst v61  }
0x31: {  	v0 =	vbroadcast v0, $0xF;
	[tilespmem:s15+$0x50] =	vst v62  }
0x32: {  	[tilespmem:s15+$0x60] =	vst v63  }
0x33: {  	s16 =	simm.s32 $0x80;
	s17 =	simm.s32 $0x10;
	[tilespmem:s15+$0x70] =	vst v0  }
.LBB2_3:
0x34: {  	p1 =	sne.s32 s16, $0x7C0;
	v0 =	vld [tilespmem:s17+$0x200];
	_ =	sdelay $0x4  }
0x35: {  	v1 =	vbroadcast v0, $0x0;
	v2 =	vbroadcast v0, $0x1  }
0x36: {  	s15 =	sadd.s32 $0x100, s15;
	v3 =	vbroadcast v0, $0x2;
	v4 =	vbroadcast v0, $0x3  }
0x37: {  	v5 =	vbroadcast v0, $0x5;
	[tilespmem:s15+$0xFFFFFF80] =	vst v1;
	v1 =	vbroadcast v0, $0x4  }
0x38: {  	v6 =	vbroadcast v0, $0x7;
	[tilespmem:s15+$0xFFFFFF90] =	vst v2;
	v2 =	vbroadcast v0, $0x6  }
0x39: {  	v7 =	vbroadcast v0, $0x9;
	[tilespmem:s15+$0xFFFFFFA0] =	vst v3;
	v3 =	vbroadcast v0, $0x8  }
0x3a: {  	v8 =	vbroadcast v0, $0xB;
	[tilespmem:s15+$0xFFFFFFB0] =	vst v4;
	v4 =	vbroadcast v0, $0xA  }
0x3b: {  	v9 =	vbroadcast v0, $0xD;
	[tilespmem:s15+$0xFFFFFFC0] =	vst v1;
	v1 =	vbroadcast v0, $0xC  }
0x3c: {  	[tilespmem:s15+$0xFFFFFFD0] =	vst v5;
	v5 =	vbroadcast v0, $0xE;
	v0 =	vbroadcast v0, $0xF  }
0x3d: {  	[tilespmem:s15+$0xFFFFFFE0] =	vst v2  }
0x3e: {  	[tilespmem:s15+$0xFFFFFFF0] =	vst v6  }
0x3f: {  	[tilespmem:s15+$0x0] =	vst v3  }
0x40: {  	[tilespmem:s15+$0x10] =	vst v7  }
0x41: {  	[tilespmem:s15+$0x20] =	vst v4  }
.Ltmp0:
0x42: {  	[tilespmem:s15+$0x30] =	vst v8;
	(pc) =	sbr.rel @p1 .LBB2_3-.Ltmp0, $4  }
0x43: {  	[tilespmem:s15+$0x40] =	vst v1  }
0x44: {  	[tilespmem:s15+$0x50] =	vst v9  }
0x45: {  	[tilespmem:s15+$0x60] =	vst v5  }
0x46: {  	s17 =	sshra.s32 s16, $0x2;
	s16 =	sadd.s32 $0x40, s16;
	[tilespmem:s15+$0x70] =	vst v0  }
0x47: {  	v0 =	vld [tilespmem:s17+$0x200];
	_ =	sdelay $0x4  }
0x48: {  	v1 =	vbroadcast v0, $0x0  }
0x49: {  	s15 =	sadd.s32 $0x100, s15;
	v2 =	vbroadcast v0, $0x1  }
0x4a: {  	v3 =	vbroadcast v0, $0x2;
	[tilespmem:s15+$0xFFFFFF80] =	vst v1  }
0x4b: {  	v52 =	vbroadcast v0, $0x3;
	[tilespmem:s15+$0xFFFFFF90] =	vst v2  }
0x4c: {  	v53 =	vbroadcast v0, $0x4;
	[tilespmem:s15+$0xFFFFFFA0] =	vst v3  }
0x4d: {  	v54 =	vbroadcast v0, $0x5;
	[tilespmem:s15+$0xFFFFFFB0] =	vst v52  }
0x4e: {  	v55 =	vbroadcast v0, $0x6;
	[tilespmem:s15+$0xFFFFFFC0] =	vst v53  }
0x4f: {  	v56 =	vbroadcast v0, $0x7;
	[tilespmem:s15+$0xFFFFFFD0] =	vst v54  }
0x50: {  	v57 =	vbroadcast v0, $0x8;
	[tilespmem:s15+$0xFFFFFFE0] =	vst v55  }
0x51: {  	v58 =	vbroadcast v0, $0x9;
	[tilespmem:s15+$0xFFFFFFF0] =	vst v56  }
0x52: {  	v59 =	vbroadcast v0, $0xA;
	[tilespmem:s15+$0x0] =	vst v57  }
0x53: {  	v60 =	vbroadcast v0, $0xB;
	[tilespmem:s15+$0x10] =	vst v58  }
0x54: {  	v61 =	vbroadcast v0, $0xC;
	[tilespmem:s15+$0x20] =	vst v59  }
0x55: {  	v62 =	vbroadcast v0, $0xD;
	[tilespmem:s15+$0x30] =	vst v60  }
0x56: {  	v63 =	vbroadcast v0, $0xE;
	[tilespmem:s15+$0x40] =	vst v61  }
0x57: {  	s14 =	sadd.s32 $0x1, s14;
	v0 =	vbroadcast v0, $0xF;
	[tilespmem:s15+$0x50] =	vst v62  }
0x58: {  	p1 =	sne.s32 s14, $0x31;
	[tilespmem:s15+$0x60] =	vst v63  }
.Ltmp1:
0x59: {  	[tilespmem:s15+$0x70] =	vst v0;
	(pc) =	sbr.rel @p1 .LBB2_2-.Ltmp1, $4  }
0x5a: {  	[spmem:s3] =	stream.indirect.scatter.add.f32 [tilespmem:s12], [sflag:$0x1], $0x10, s4, s11, $0xb8;
	[tilespmem:$0x54D8] =	vst v63  }
0x5b: {  	_ =	swait.ge [sflag:s10], $0x2000  }
0x5c: {  	[sflag:s10] =	ssyncset.done $0x0  }
0x5d: {  	[sflag:s10] =	ssyncadd.s32 $0xFFFFE000  }
0x5e: {  	[bflag:$0x0] =	sbarrier.arrive $0xFFFF;
	s14 =	simm.s32 @!p0 $0x1C01;
	s13 =	sadd.s32 $0x1, s13  }
0x5f: {  	[hbm:s7], [sflag:s14] =	dma.local @!p0 [spmem:s9], $0x61A8  }
0x60: {  	p1 =	sne.s32 s13, s8  }
.Ltmp2:
0x61: {  	_ = 	snop;
	(pc) =	sbr.rel @p1 .LBB2_1-.Ltmp2, $4  }
0x62: {  	s14 =	simm.s32 @!p0 $0x1  }
0x63: {  	_ =	swait.ge @!p0 [sflag:s14], $0x61A8  }
0x64: {  	[sflag:s14] =	ssyncset.done @!p0 $0x0  }
0x65: {  	[sflag:s14] =	ssyncadd.s32 @!p0 $0xFFFF9E58  }
0x66: {  	_ =	sfence.sel $0x180000  }
0x67: {  	[bflag:$0x0] =	sbarrier.arrive $0xFFFF  }
0x68: {  	_ =	strace $0x90000047  }
0x69: {  	s0 =	sadd.s32 @!p0 $0x100000, s1;
	[bflag:$0x2] =	sbarrier.arrive $0xFFFF  }
0x6a: {  	[sflag:s0] =	ssyncadd.tile.s32 @!p0 $0x1;
	_ =	shalt  }
.Lfunc_end2:
_tile_overlayer_lowered:
.L_overlay_start_2:
0x6b: {  	(tag) =	ssettag $0x2  }
0x6c: {  	s0 =	rddreg [dreg:$0x0];
	s2 =	stileid.u32  }
0x6d: {  	s1 =	rddreg [dreg:$0x1];
	p0 =	sne.s32 s2, $0x0  }
0x6e: {  	s3 =	rddreg [dreg:$0x2];
	[bflag:$0x3] =	sbarrier.arrive $0xFFFF;
	s2 =	simm.s32 @!p0 $0x1C01  }
0x6f: {  	[timem:s3], [sflag:s2] =	dma.local @!p0 [hbm:s0], s1  }
0x70: {  	s0 =	simm.s32 @!p0 $0x1  }
0x71: {  	_ =	swait.ge @!p0 [sflag:s0], s1  }
0x72: {  	s1 =	ssub.s32 @!p0 $0x0, s1;
	[sflag:s0] =	ssyncset.done @!p0 $0x0  }
0x73: {  	[sflag:s0] =	ssyncadd.s32 @!p0 s1  }
0x74: {  	[bflag:$0x3] =	sbarrier.arrive $0xFFFF  }
0x75: {  	_ =	shalt  }

</sc_bundles>
